<compile_context>
chip_gen: v7x
topology: tpu7x:2x2x1
jax: 0.10.2.dev20260603
libtpu: 0.0.44.dev20260713+nightly
codegen_flags: <defaults>
</compile_context>

<pallas_src>
import functools

import jax
import jax.numpy as jnp
from jax import lax
from jax.experimental import pallas as pl
from jax.experimental.pallas import tpu as pltpu
from jax.experimental.pallas import tpu_sc as plsc

NC = 2
NS = 16
NW = NC * NS
CHUNK = 128
NBUF = 2


@functools.lru_cache(maxsize=None)
def _build(N, DP, n_chunks):
    per_w = n_chunks * CHUNK
    mesh = plsc.VectorSubcoreMesh(core_axis_name="c", subcore_axis_name="s")

    scratch = [
        pltpu.VMEM((n_chunks, CHUNK), jnp.int32),
        pltpu.VMEM((NBUF, CHUNK, DP), jnp.float32),
    ] + [pltpu.SemaphoreType.DMA] * (2 * NBUF)

    @functools.partial(
        pl.kernel,
        out_type=jax.ShapeDtypeStruct((N, DP), jnp.float32),
        mesh=mesh,
        scratch_types=scratch,
        compiler_params=pltpu.CompilerParams(use_tc_tiling_on_sc=False),
    )
    def run(idx_hbm, table_hbm, out_hbm, idx_v, rows_v, *sems):
        gsem = sems[:NBUF]
        ssem = sems[NBUF:]
        wid = lax.axis_index("s") * NC + lax.axis_index("c")
        base = wid * per_w
        pltpu.sync_copy(idx_hbm.at[pl.ds(wid * n_chunks, n_chunks)], idx_v)

        def gather_start(c, b):
            pltpu.async_copy(table_hbm.at[idx_v.at[c]], rows_v.at[b], gsem[b])

        def gather_wait(c, b):
            pltpu.make_async_copy(
                table_hbm.at[idx_v.at[c]], rows_v.at[b], gsem[b]).wait()

        def scatter_start(c, b):
            pltpu.async_copy(
                rows_v.at[b], out_hbm.at[pl.ds(base + c * CHUNK, CHUNK)], ssem[b])

        def scatter_wait(c, b):
            pltpu.make_async_copy(
                rows_v.at[b], out_hbm.at[pl.ds(base + c * CHUNK, CHUNK)], ssem[b]).wait()

        for b in range(NBUF):
            gather_start(b, b)

        n_outer = n_chunks // NBUF

        @pl.loop(0, n_outer - 1)
        def _(o):
            for b in range(NBUF):
                c = o * NBUF + b
                gather_wait(c, b)
                scatter_start(c, b)
                scatter_wait(c, b)
                gather_start(c + NBUF, b)

        for b in range(NBUF):
            c = (n_outer - 1) * NBUF + b
            gather_wait(c, b)
            scatter_start(c, b)
            scatter_wait(c, b)

    return run


def kernel(inputs, word_embedding):
    B, L = inputs.shape
    V, D = word_embedding.shape
    DP = (D + 7) // 8 * 8
    N = B * L
    per_w = N // NW
    n_chunks = per_w // CHUNK
    idx = inputs.reshape(NW * n_chunks, CHUNK).astype(jnp.int32)
    table = jnp.pad(word_embedding, ((0, 0), (0, DP - D)))
    out = _build(N, DP, n_chunks)(idx, table)
    return out[:, :D].reshape(B, L, D)

# --- scband reference (transcript-rebuilt; emitter-appended) ---
"""Pipeline reference for scband-embedding-69380901700020 (READ-ONLY COPY).

The authoritative reference and input builder live on the scoring server;
editing this copy changes nothing except your own understanding.
"""

import jax, jax.numpy as jnp
import numpy as np

VOCAB = 100000
DIM = 50
B = 4096
L = 50
PAD = VOCAB - 1

def setup_inputs(seed: int = 0) -> dict:
    key = jax.random.key(seed)
    k1, k2 = jax.random.split(key)
    inputs = jax.random.randint(k1, (B, L), 0, VOCAB)
    # word_vec_mat copied into the embedding table at init; padding row is the last row
    word_embedding = jax.random.normal(k2, (VOCAB, DIM), dtype=jnp.float32)
    return {"inputs": inputs, "word_embedding": word_embedding}

def reference(inputs, word_embedding):
    # nn.Embedding forward: pure row gather from the table
    return jnp.take(word_embedding, inputs, axis=0)

if __name__ == "__main__":
    import jax
    _d = setup_inputs()
    print(jax.jit(kernel)(*tuple(_d.values())))

</pallas_src>

<mosaic_0001>
#map = affine_map<(d0, d1) -> (0, 0)>
module attributes {stable_mosaic.version = 14 : i64} {
  func.func @run(%arg0: i32, %arg1: i32, %arg2: memref<1600x128xi32, #tpu.memory_space<hbm>>, %arg3: memref<100000x56xf32, #tpu.memory_space<hbm>>, %arg4: memref<204800x56xf32, #tpu.memory_space<hbm>>, %arg5: memref<50x128xi32, #tpu.memory_space<vmem>>, %arg6: memref<2x128x56xf32, #tpu.memory_space<vmem>>, %arg7: memref<!tpu.dma_semaphore, #tpu.memory_space<semaphore_mem>>, %arg8: memref<!tpu.dma_semaphore, #tpu.memory_space<semaphore_mem>>, %arg9: memref<!tpu.dma_semaphore, #tpu.memory_space<semaphore_mem>>, %arg10: memref<!tpu.dma_semaphore, #tpu.memory_space<semaphore_mem>>) attributes {dimension_semantics = [#tpu.dimension_semantics<core_parallel>, #tpu.dimension_semantics<subcore_parallel>], iteration_bounds = array<i64: 2, 16>, scalar_prefetch = 0 : i64, scratch_operands = 6 : i64, tpu.core_type = #tpu.core_type<sc_vector_subcore>, window_params = [{transform_indices = #map}, {transform_indices = #map}, {transform_indices = #map}]} {
    %mul3A = arith.constant 2 : i32
    %mul3A_0 = arith.muli %arg1, %mul3A : i32
    %add3A = arith.addi %mul3A_0, %arg0 : i32
    %mul3A_1 = arith.constant 6400 : i32
    %mul3A_2 = arith.muli %add3A, %mul3A_1 : i32
    %mul3A_3 = arith.constant 50 : i32
    %mul3A_4 = arith.muli %add3A, %mul3A_3 : i32
    "tpu.region"() ({
      %run_scoped3A = tpu.sem_alloc : memref<!tpu.dma_semaphore, #tpu.memory_space<semaphore_mem>>
      %dma_start3A_115 = arith.constant 0 : i32
      %dma_start3A_116 = tpu.memref_slice %arg2[%mul3A_4, %dma_start3A_115] : memref<1600x128xi32, #tpu.memory_space<hbm>> -> memref<50x128xi32, #tpu.memory_space<hbm>>
      %dma_start3A_117 = arith.constant 0 : i32
      %dma_start3A_118 = tpu.memref_slice %arg2[%mul3A_4, %dma_start3A_117] : memref<1600x128xi32, #tpu.memory_space<hbm>> -> memref<50x128xi32, #tpu.memory_space<hbm>>
      tpu.enqueue_dma source(%dma_start3A_118 : memref<50x128xi32, #tpu.memory_space<hbm>>) target(%arg5 : memref<50x128xi32, #tpu.memory_space<vmem>>) target_semaphore(%run_scoped3A : memref<!tpu.dma_semaphore, #tpu.memory_space<semaphore_mem>>)
      %dma_wait3A_119 = arith.constant 0 : i32
      %dma_wait3A_120 = tpu.memref_slice %arg2[%mul3A_4, %dma_wait3A_119] : memref<1600x128xi32, #tpu.memory_space<hbm>> -> memref<50x128xi32, #tpu.memory_space<hbm>>
      %dma_wait3A_121 = arith.constant 0 : i32
      %dma_wait3A_122 = tpu.memref_slice %arg2[%mul3A_4, %dma_wait3A_121] : memref<1600x128xi32, #tpu.memory_space<hbm>> -> memref<50x128xi32, #tpu.memory_space<hbm>>
      tpu.wait_dma2 semaphore(%run_scoped3A : memref<!tpu.dma_semaphore, #tpu.memory_space<semaphore_mem>>) src(%dma_wait3A_122 : memref<50x128xi32, #tpu.memory_space<hbm>>) dst(%arg5 : memref<50x128xi32, #tpu.memory_space<vmem>>)
      tpu.yield
    }) : () -> ()
    %dma_start3A = arith.constant 0 : i32
    %dma_start3A_5 = arith.constant 0 : i32
    %dma_start3A_6 = arith.constant 0 : i32
    %dma_start3A_7 = arith.constant 0 : i32
    %dma_start3A_8 = tpu.memref_slice %arg6[%dma_start3A_5, %dma_start3A_6, %dma_start3A_7] : memref<2x128x56xf32, #tpu.memory_space<vmem>> -> memref<1x128x56xf32, #tpu.memory_space<vmem>>
    %dma_start3A_9 = tpu.memref_squeeze %dma_start3A_8 : memref<1x128x56xf32, #tpu.memory_space<vmem>> -> memref<128x56xf32, #tpu.memory_space<vmem>>
    %dma_start3A_10 = arith.constant 0 : i32
    %dma_start3A_11 = tpu.memref_slice %arg5[%dma_start3A, %dma_start3A_10] : memref<50x128xi32, #tpu.memory_space<vmem>> -> memref<1x128xi32, #tpu.memory_space<vmem>>
    %dma_start3A_12 = tpu.memref_squeeze %dma_start3A_11 : memref<1x128xi32, #tpu.memory_space<vmem>> -> memref<128xi32, #tpu.memory_space<vmem>>
    %dma_start3A_13 = arith.constant 0 : i32
    %dma_start3A_14 = arith.constant 0 : i32
    %dma_start3A_15 = tpu.memref_slice %arg3[%dma_start3A_13, %dma_start3A_14] : memref<100000x56xf32, #tpu.memory_space<hbm>> -> memref<100000x56xf32, #tpu.memory_space<hbm>>
    tpu.enqueue_indirect_dma source(%dma_start3A_15 : memref<100000x56xf32, #tpu.memory_space<hbm>>) target(%dma_start3A_9 : memref<128x56xf32, #tpu.memory_space<vmem>>) offsets(%dma_start3A_12 : memref<128xi32, #tpu.memory_space<vmem>>) semaphore(%arg7 : memref<!tpu.dma_semaphore, #tpu.memory_space<semaphore_mem>>)
    %dma_start3A_16 = arith.constant 1 : i32
    %dma_start3A_17 = arith.constant 1 : i32
    %dma_start3A_18 = arith.constant 0 : i32
    %dma_start3A_19 = arith.constant 0 : i32
    %dma_start3A_20 = tpu.memref_slice %arg6[%dma_start3A_17, %dma_start3A_18, %dma_start3A_19] : memref<2x128x56xf32, #tpu.memory_space<vmem>> -> memref<1x128x56xf32, #tpu.memory_space<vmem>>
    %dma_start3A_21 = tpu.memref_squeeze %dma_start3A_20 : memref<1x128x56xf32, #tpu.memory_space<vmem>> -> memref<128x56xf32, #tpu.memory_space<vmem>>
    %dma_start3A_22 = arith.constant 0 : i32
    %dma_start3A_23 = tpu.memref_slice %arg5[%dma_start3A_16, %dma_start3A_22] : memref<50x128xi32, #tpu.memory_space<vmem>> -> memref<1x128xi32, #tpu.memory_space<vmem>>
    %dma_start3A_24 = tpu.memref_squeeze %dma_start3A_23 : memref<1x128xi32, #tpu.memory_space<vmem>> -> memref<128xi32, #tpu.memory_space<vmem>>
    %dma_start3A_25 = arith.constant 0 : i32
    %dma_start3A_26 = arith.constant 0 : i32
    %dma_start3A_27 = tpu.memref_slice %arg3[%dma_start3A_25, %dma_start3A_26] : memref<100000x56xf32, #tpu.memory_space<hbm>> -> memref<100000x56xf32, #tpu.memory_space<hbm>>
    tpu.enqueue_indirect_dma source(%dma_start3A_27 : memref<100000x56xf32, #tpu.memory_space<hbm>>) target(%dma_start3A_21 : memref<128x56xf32, #tpu.memory_space<vmem>>) offsets(%dma_start3A_24 : memref<128xi32, #tpu.memory_space<vmem>>) semaphore(%arg8 : memref<!tpu.dma_semaphore, #tpu.memory_space<semaphore_mem>>)
    %scan3A = arith.constant 0 : i32
    %scan3A_28 = arith.constant 24 : i32
    %scan3A_29 = arith.addi %scan3A, %scan3A_28 : i32
    %scan3A_30 = arith.constant 1 : i32
    scf.for %scan3A_115 = %scan3A to %scan3A_29 step %scan3A_30  : i32 {
      %mul3A_116 = arith.constant 1 : i32
      %mul3A_117 = arith.muli %scan3A_115, %mul3A_116 : i32
      %add3A_118 = arith.constant 0 : i32
      %add3A_119 = arith.addi %add3A_118, %mul3A_117 : i32
      %mul3A_120 = arith.constant 2 : i32
      %mul3A_121 = arith.muli %add3A_119, %mul3A_120 : i32
      %add3A_122 = arith.constant 0 : i32
      %add3A_123 = arith.addi %mul3A_121, %add3A_122 : i32
      %dma_wait3A_124 = arith.constant 0 : i32
      %dma_wait3A_125 = arith.constant 0 : i32
      %dma_wait3A_126 = arith.constant 0 : i32
      %dma_wait3A_127 = tpu.memref_slice %arg6[%dma_wait3A_124, %dma_wait3A_125, %dma_wait3A_126] : memref<2x128x56xf32, #tpu.memory_space<vmem>> -> memref<1x128x56xf32, #tpu.memory_space<vmem>>
      %dma_wait3A_128 = tpu.memref_squeeze %dma_wait3A_127 : memref<1x128x56xf32, #tpu.memory_space<vmem>> -> memref<128x56xf32, #tpu.memory_space<vmem>>
      %dma_wait3A_129 = arith.constant 0 : i32
      %dma_wait3A_130 = tpu.memref_slice %arg5[%add3A_123, %dma_wait3A_129] : memref<50x128xi32, #tpu.memory_space<vmem>> -> memref<1x128xi32, #tpu.memory_space<vmem>>
      %dma_wait3A_131 = tpu.memref_squeeze %dma_wait3A_130 : memref<1x128xi32, #tpu.memory_space<vmem>> -> memref<128xi32, #tpu.memory_space<vmem>>
      %dma_wait3A_132 = arith.constant 0 : i32
      %dma_wait3A_133 = arith.constant 0 : i32
      %dma_wait3A_134 = tpu.memref_slice %arg3[%dma_wait3A_132, %dma_wait3A_133] : memref<100000x56xf32, #tpu.memory_space<hbm>> -> memref<100000x56xf32, #tpu.memory_space<hbm>>
      tpu.wait_indirect_dma semaphore(%arg7 : memref<!tpu.dma_semaphore, #tpu.memory_space<semaphore_mem>>) src(%dma_wait3A_134 : memref<100000x56xf32, #tpu.memory_space<hbm>>) dst(%dma_wait3A_128 : memref<128x56xf32, #tpu.memory_space<vmem>>)
      %mul3A_135 = arith.constant 128 : i32
      %mul3A_136 = arith.muli %add3A_123, %mul3A_135 : i32
      %add3A_137 = arith.addi %mul3A_2, %mul3A_136 : i32
      %dma_start3A_138 = arith.constant 0 : i32
      %dma_start3A_139 = arith.constant 0 : i32
      %dma_start3A_140 = arith.constant 0 : i32
      %dma_start3A_141 = tpu.memref_slice %arg6[%dma_start3A_138, %dma_start3A_139, %dma_start3A_140] : memref<2x128x56xf32, #tpu.memory_space<vmem>> -> memref<1x128x56xf32, #tpu.memory_space<vmem>>
      %dma_start3A_142 = tpu.memref_squeeze %dma_start3A_141 : memref<1x128x56xf32, #tpu.memory_space<vmem>> -> memref<128x56xf32, #tpu.memory_space<vmem>>
      %dma_start3A_143 = arith.constant 0 : i32
      %dma_start3A_144 = tpu.memref_slice %arg4[%add3A_137, %dma_start3A_143] : memref<204800x56xf32, #tpu.memory_space<hbm>> -> memref<128x56xf32, #tpu.memory_space<hbm>>
      %dma_start3A_145 = arith.constant 0 : i32
      %dma_start3A_146 = tpu.memref_slice %arg4[%add3A_137, %dma_start3A_145] : memref<204800x56xf32, #tpu.memory_space<hbm>> -> memref<128x56xf32, #tpu.memory_space<hbm>>
      %dma_start3A_147 = arith.constant 0 : i32
      %dma_start3A_148 = arith.constant 0 : i32
      %dma_start3A_149 = tpu.memref_slice %arg6[%dma_start3A_138, %dma_start3A_147, %dma_start3A_148] : memref<2x128x56xf32, #tpu.memory_space<vmem>> -> memref<1x128x56xf32, #tpu.memory_space<vmem>>
      %dma_start3A_150 = tpu.memref_squeeze %dma_start3A_149 : memref<1x128x56xf32, #tpu.memory_space<vmem>> -> memref<128x56xf32, #tpu.memory_space<vmem>>
      tpu.enqueue_dma source(%dma_start3A_150 : memref<128x56xf32, #tpu.memory_space<vmem>>) target(%dma_start3A_146 : memref<128x56xf32, #tpu.memory_space<hbm>>) target_semaphore(%arg9 : memref<!tpu.dma_semaphore, #tpu.memory_space<semaphore_mem>>)
      %mul3A_151 = arith.constant 128 : i32
      %mul3A_152 = arith.muli %add3A_123, %mul3A_151 : i32
      %add3A_153 = arith.addi %mul3A_2, %mul3A_152 : i32
      %dma_wait3A_154 = arith.constant 0 : i32
      %dma_wait3A_155 = arith.constant 0 : i32
      %dma_wait3A_156 = arith.constant 0 : i32
      %dma_wait3A_157 = tpu.memref_slice %arg6[%dma_wait3A_154, %dma_wait3A_155, %dma_wait3A_156] : memref<2x128x56xf32, #tpu.memory_space<vmem>> -> memref<1x128x56xf32, #tpu.memory_space<vmem>>
      %dma_wait3A_158 = tpu.memref_squeeze %dma_wait3A_157 : memref<1x128x56xf32, #tpu.memory_space<vmem>> -> memref<128x56xf32, #tpu.memory_space<vmem>>
      %dma_wait3A_159 = arith.constant 0 : i32
      %dma_wait3A_160 = tpu.memref_slice %arg4[%add3A_153, %dma_wait3A_159] : memref<204800x56xf32, #tpu.memory_space<hbm>> -> memref<128x56xf32, #tpu.memory_space<hbm>>
      %dma_wait3A_161 = arith.constant 0 : i32
      %dma_wait3A_162 = tpu.memref_slice %arg4[%add3A_153, %dma_wait3A_161] : memref<204800x56xf32, #tpu.memory_space<hbm>> -> memref<128x56xf32, #tpu.memory_space<hbm>>
      %dma_wait3A_163 = arith.constant 0 : i32
      %dma_wait3A_164 = arith.constant 0 : i32
      %dma_wait3A_165 = tpu.memref_slice %arg6[%dma_wait3A_154, %dma_wait3A_163, %dma_wait3A_164] : memref<2x128x56xf32, #tpu.memory_space<vmem>> -> memref<1x128x56xf32, #tpu.memory_space<vmem>>
      %dma_wait3A_166 = tpu.memref_squeeze %dma_wait3A_165 : memref<1x128x56xf32, #tpu.memory_space<vmem>> -> memref<128x56xf32, #tpu.memory_space<vmem>>
      tpu.wait_dma2 semaphore(%arg9 : memref<!tpu.dma_semaphore, #tpu.memory_space<semaphore_mem>>) src(%dma_wait3A_166 : memref<128x56xf32, #tpu.memory_space<vmem>>) dst(%dma_wait3A_162 : memref<128x56xf32, #tpu.memory_space<hbm>>)
      %add3A_167 = arith.constant 2 : i32
      %add3A_168 = arith.addi %add3A_123, %add3A_167 : i32
      %dma_start3A_169 = arith.constant 0 : i32
      %dma_start3A_170 = arith.constant 0 : i32
      %dma_start3A_171 = arith.constant 0 : i32
      %dma_start3A_172 = tpu.memref_slice %arg6[%dma_start3A_169, %dma_start3A_170, %dma_start3A_171] : memref<2x128x56xf32, #tpu.memory_space<vmem>> -> memref<1x128x56xf32, #tpu.memory_space<vmem>>
      %dma_start3A_173 = tpu.memref_squeeze %dma_start3A_172 : memref<1x128x56xf32, #tpu.memory_space<vmem>> -> memref<128x56xf32, #tpu.memory_space<vmem>>
      %dma_start3A_174 = arith.constant 0 : i32
      %dma_start3A_175 = tpu.memref_slice %arg5[%add3A_168, %dma_start3A_174] : memref<50x128xi32, #tpu.memory_space<vmem>> -> memref<1x128xi32, #tpu.memory_space<vmem>>
      %dma_start3A_176 = tpu.memref_squeeze %dma_start3A_175 : memref<1x128xi32, #tpu.memory_space<vmem>> -> memref<128xi32, #tpu.memory_space<vmem>>
      %dma_start3A_177 = arith.constant 0 : i32
      %dma_start3A_178 = arith.constant 0 : i32
      %dma_start3A_179 = tpu.memref_slice %arg3[%dma_start3A_177, %dma_start3A_178] : memref<100000x56xf32, #tpu.memory_space<hbm>> -> memref<100000x56xf32, #tpu.memory_space<hbm>>
      tpu.enqueue_indirect_dma source(%dma_start3A_179 : memref<100000x56xf32, #tpu.memory_space<hbm>>) target(%dma_start3A_173 : memref<128x56xf32, #tpu.memory_space<vmem>>) offsets(%dma_start3A_176 : memref<128xi32, #tpu.memory_space<vmem>>) semaphore(%arg7 : memref<!tpu.dma_semaphore, #tpu.memory_space<semaphore_mem>>)
      %mul3A_180 = arith.constant 2 : i32
      %mul3A_181 = arith.muli %add3A_119, %mul3A_180 : i32
      %add3A_182 = arith.constant 1 : i32
      %add3A_183 = arith.addi %mul3A_181, %add3A_182 : i32
      %dma_wait3A_184 = arith.constant 1 : i32
      %dma_wait3A_185 = arith.constant 0 : i32
      %dma_wait3A_186 = arith.constant 0 : i32
      %dma_wait3A_187 = tpu.memref_slice %arg6[%dma_wait3A_184, %dma_wait3A_185, %dma_wait3A_186] : memref<2x128x56xf32, #tpu.memory_space<vmem>> -> memref<1x128x56xf32, #tpu.memory_space<vmem>>
      %dma_wait3A_188 = tpu.memref_squeeze %dma_wait3A_187 : memref<1x128x56xf32, #tpu.memory_space<vmem>> -> memref<128x56xf32, #tpu.memory_space<vmem>>
      %dma_wait3A_189 = arith.constant 0 : i32
      %dma_wait3A_190 = tpu.memref_slice %arg5[%add3A_183, %dma_wait3A_189] : memref<50x128xi32, #tpu.memory_space<vmem>> -> memref<1x128xi32, #tpu.memory_space<vmem>>
      %dma_wait3A_191 = tpu.memref_squeeze %dma_wait3A_190 : memref<1x128xi32, #tpu.memory_space<vmem>> -> memref<128xi32, #tpu.memory_space<vmem>>
      %dma_wait3A_192 = arith.constant 0 : i32
      %dma_wait3A_193 = arith.constant 0 : i32
      %dma_wait3A_194 = tpu.memref_slice %arg3[%dma_wait3A_192, %dma_wait3A_193] : memref<100000x56xf32, #tpu.memory_space<hbm>> -> memref<100000x56xf32, #tpu.memory_space<hbm>>
      tpu.wait_indirect_dma semaphore(%arg8 : memref<!tpu.dma_semaphore, #tpu.memory_space<semaphore_mem>>) src(%dma_wait3A_194 : memref<100000x56xf32, #tpu.memory_space<hbm>>) dst(%dma_wait3A_188 : memref<128x56xf32, #tpu.memory_space<vmem>>)
      %mul3A_195 = arith.constant 128 : i32
      %mul3A_196 = arith.muli %add3A_183, %mul3A_195 : i32
      %add3A_197 = arith.addi %mul3A_2, %mul3A_196 : i32
      %dma_start3A_198 = arith.constant 1 : i32
      %dma_start3A_199 = arith.constant 0 : i32
      %dma_start3A_200 = arith.constant 0 : i32
      %dma_start3A_201 = tpu.memref_slice %arg6[%dma_start3A_198, %dma_start3A_199, %dma_start3A_200] : memref<2x128x56xf32, #tpu.memory_space<vmem>> -> memref<1x128x56xf32, #tpu.memory_space<vmem>>
      %dma_start3A_202 = tpu.memref_squeeze %dma_start3A_201 : memref<1x128x56xf32, #tpu.memory_space<vmem>> -> memref<128x56xf32, #tpu.memory_space<vmem>>
      %dma_start3A_203 = arith.constant 0 : i32
      %dma_start3A_204 = tpu.memref_slice %arg4[%add3A_197, %dma_start3A_203] : memref<204800x56xf32, #tpu.memory_space<hbm>> -> memref<128x56xf32, #tpu.memory_space<hbm>>
      %dma_start3A_205 = arith.constant 0 : i32
      %dma_start3A_206 = tpu.memref_slice %arg4[%add3A_197, %dma_start3A_205] : memref<204800x56xf32, #tpu.memory_space<hbm>> -> memref<128x56xf32, #tpu.memory_space<hbm>>
      %dma_start3A_207 = arith.constant 0 : i32
      %dma_start3A_208 = arith.constant 0 : i32
      %dma_start3A_209 = tpu.memref_slice %arg6[%dma_start3A_198, %dma_start3A_207, %dma_start3A_208] : memref<2x128x56xf32, #tpu.memory_space<vmem>> -> memref<1x128x56xf32, #tpu.memory_space<vmem>>
      %dma_start3A_210 = tpu.memref_squeeze %dma_start3A_209 : memref<1x128x56xf32, #tpu.memory_space<vmem>> -> memref<128x56xf32, #tpu.memory_space<vmem>>
      tpu.enqueue_dma source(%dma_start3A_210 : memref<128x56xf32, #tpu.memory_space<vmem>>) target(%dma_start3A_206 : memref<128x56xf32, #tpu.memory_space<hbm>>) target_semaphore(%arg10 : memref<!tpu.dma_semaphore, #tpu.memory_space<semaphore_mem>>)
      %mul3A_211 = arith.constant 128 : i32
      %mul3A_212 = arith.muli %add3A_183, %mul3A_211 : i32
      %add3A_213 = arith.addi %mul3A_2, %mul3A_212 : i32
      %dma_wait3A_214 = arith.constant 1 : i32
      %dma_wait3A_215 = arith.constant 0 : i32
      %dma_wait3A_216 = arith.constant 0 : i32
      %dma_wait3A_217 = tpu.memref_slice %arg6[%dma_wait3A_214, %dma_wait3A_215, %dma_wait3A_216] : memref<2x128x56xf32, #tpu.memory_space<vmem>> -> memref<1x128x56xf32, #tpu.memory_space<vmem>>
      %dma_wait3A_218 = tpu.memref_squeeze %dma_wait3A_217 : memref<1x128x56xf32, #tpu.memory_space<vmem>> -> memref<128x56xf32, #tpu.memory_space<vmem>>
      %dma_wait3A_219 = arith.constant 0 : i32
      %dma_wait3A_220 = tpu.memref_slice %arg4[%add3A_213, %dma_wait3A_219] : memref<204800x56xf32, #tpu.memory_space<hbm>> -> memref<128x56xf32, #tpu.memory_space<hbm>>
      %dma_wait3A_221 = arith.constant 0 : i32
      %dma_wait3A_222 = tpu.memref_slice %arg4[%add3A_213, %dma_wait3A_221] : memref<204800x56xf32, #tpu.memory_space<hbm>> -> memref<128x56xf32, #tpu.memory_space<hbm>>
      %dma_wait3A_223 = arith.constant 0 : i32
      %dma_wait3A_224 = arith.constant 0 : i32
      %dma_wait3A_225 = tpu.memref_slice %arg6[%dma_wait3A_214, %dma_wait3A_223, %dma_wait3A_224] : memref<2x128x56xf32, #tpu.memory_space<vmem>> -> memref<1x128x56xf32, #tpu.memory_space<vmem>>
      %dma_wait3A_226 = tpu.memref_squeeze %dma_wait3A_225 : memref<1x128x56xf32, #tpu.memory_space<vmem>> -> memref<128x56xf32, #tpu.memory_space<vmem>>
      tpu.wait_dma2 semaphore(%arg10 : memref<!tpu.dma_semaphore, #tpu.memory_space<semaphore_mem>>) src(%dma_wait3A_226 : memref<128x56xf32, #tpu.memory_space<vmem>>) dst(%dma_wait3A_222 : memref<128x56xf32, #tpu.memory_space<hbm>>)
      %add3A_227 = arith.constant 2 : i32
      %add3A_228 = arith.addi %add3A_183, %add3A_227 : i32
      %dma_start3A_229 = arith.constant 1 : i32
      %dma_start3A_230 = arith.constant 0 : i32
      %dma_start3A_231 = arith.constant 0 : i32
      %dma_start3A_232 = tpu.memref_slice %arg6[%dma_start3A_229, %dma_start3A_230, %dma_start3A_231] : memref<2x128x56xf32, #tpu.memory_space<vmem>> -> memref<1x128x56xf32, #tpu.memory_space<vmem>>
      %dma_start3A_233 = tpu.memref_squeeze %dma_start3A_232 : memref<1x128x56xf32, #tpu.memory_space<vmem>> -> memref<128x56xf32, #tpu.memory_space<vmem>>
      %dma_start3A_234 = arith.constant 0 : i32
      %dma_start3A_235 = tpu.memref_slice %arg5[%add3A_228, %dma_start3A_234] : memref<50x128xi32, #tpu.memory_space<vmem>> -> memref<1x128xi32, #tpu.memory_space<vmem>>
      %dma_start3A_236 = tpu.memref_squeeze %dma_start3A_235 : memref<1x128xi32, #tpu.memory_space<vmem>> -> memref<128xi32, #tpu.memory_space<vmem>>
      %dma_start3A_237 = arith.constant 0 : i32
      %dma_start3A_238 = arith.constant 0 : i32
      %dma_start3A_239 = tpu.memref_slice %arg3[%dma_start3A_237, %dma_start3A_238] : memref<100000x56xf32, #tpu.memory_space<hbm>> -> memref<100000x56xf32, #tpu.memory_space<hbm>>
      tpu.enqueue_indirect_dma source(%dma_start3A_239 : memref<100000x56xf32, #tpu.memory_space<hbm>>) target(%dma_start3A_233 : memref<128x56xf32, #tpu.memory_space<vmem>>) offsets(%dma_start3A_236 : memref<128xi32, #tpu.memory_space<vmem>>) semaphore(%arg8 : memref<!tpu.dma_semaphore, #tpu.memory_space<semaphore_mem>>)
    }
    %scan3A_31 = arith.constant 24 : i32
    %dma_wait3A = arith.constant 48 : i32
    %dma_wait3A_32 = arith.constant 0 : i32
    %dma_wait3A_33 = arith.constant 0 : i32
    %dma_wait3A_34 = arith.constant 0 : i32
    %dma_wait3A_35 = tpu.memref_slice %arg6[%dma_wait3A_32, %dma_wait3A_33, %dma_wait3A_34] : memref<2x128x56xf32, #tpu.memory_space<vmem>> -> memref<1x128x56xf32, #tpu.memory_space<vmem>>
    %dma_wait3A_36 = tpu.memref_squeeze %dma_wait3A_35 : memref<1x128x56xf32, #tpu.memory_space<vmem>> -> memref<128x56xf32, #tpu.memory_space<vmem>>
    %dma_wait3A_37 = arith.constant 0 : i32
    %dma_wait3A_38 = tpu.memref_slice %arg5[%dma_wait3A, %dma_wait3A_37] : memref<50x128xi32, #tpu.memory_space<vmem>> -> memref<1x128xi32, #tpu.memory_space<vmem>>
    %dma_wait3A_39 = tpu.memref_squeeze %dma_wait3A_38 : memref<1x128xi32, #tpu.memory_space<vmem>> -> memref<128xi32, #tpu.memory_space<vmem>>
    %dma_wait3A_40 = arith.constant 0 : i32
    %dma_wait3A_41 = arith.constant 0 : i32
    %dma_wait3A_42 = tpu.memref_slice %arg3[%dma_wait3A_40, %dma_wait3A_41] : memref<100000x56xf32, #tpu.memory_space<hbm>> -> memref<100000x56xf32, #tpu.memory_space<hbm>>
    tpu.wait_indirect_dma semaphore(%arg7 : memref<!tpu.dma_semaphore, #tpu.memory_space<semaphore_mem>>) src(%dma_wait3A_42 : memref<100000x56xf32, #tpu.memory_space<hbm>>) dst(%dma_wait3A_36 : memref<128x56xf32, #tpu.memory_space<vmem>>)
    %add3A_43 = arith.constant 6144 : i32
    %add3A_44 = arith.addi %mul3A_2, %add3A_43 : i32
    %dma_start3A_45 = arith.constant 0 : i32
    %dma_start3A_46 = arith.constant 0 : i32
    %dma_start3A_47 = arith.constant 0 : i32
    %dma_start3A_48 = tpu.memref_slice %arg6[%dma_start3A_45, %dma_start3A_46, %dma_start3A_47] : memref<2x128x56xf32, #tpu.memory_space<vmem>> -> memref<1x128x56xf32, #tpu.memory_space<vmem>>
    %dma_start3A_49 = tpu.memref_squeeze %dma_start3A_48 : memref<1x128x56xf32, #tpu.memory_space<vmem>> -> memref<128x56xf32, #tpu.memory_space<vmem>>
    %dma_start3A_50 = arith.constant 0 : i32
    %dma_start3A_51 = tpu.memref_slice %arg4[%add3A_44, %dma_start3A_50] : memref<204800x56xf32, #tpu.memory_space<hbm>> -> memref<128x56xf32, #tpu.memory_space<hbm>>
    %dma_start3A_52 = arith.constant 0 : i32
    %dma_start3A_53 = tpu.memref_slice %arg4[%add3A_44, %dma_start3A_52] : memref<204800x56xf32, #tpu.memory_space<hbm>> -> memref<128x56xf32, #tpu.memory_space<hbm>>
    %dma_start3A_54 = arith.constant 0 : i32
    %dma_start3A_55 = arith.constant 0 : i32
    %dma_start3A_56 = tpu.memref_slice %arg6[%dma_start3A_45, %dma_start3A_54, %dma_start3A_55] : memref<2x128x56xf32, #tpu.memory_space<vmem>> -> memref<1x128x56xf32, #tpu.memory_space<vmem>>
    %dma_start3A_57 = tpu.memref_squeeze %dma_start3A_56 : memref<1x128x56xf32, #tpu.memory_space<vmem>> -> memref<128x56xf32, #tpu.memory_space<vmem>>
    tpu.enqueue_dma source(%dma_start3A_57 : memref<128x56xf32, #tpu.memory_space<vmem>>) target(%dma_start3A_53 : memref<128x56xf32, #tpu.memory_space<hbm>>) target_semaphore(%arg9 : memref<!tpu.dma_semaphore, #tpu.memory_space<semaphore_mem>>)
    %add3A_58 = arith.constant 6144 : i32
    %add3A_59 = arith.addi %mul3A_2, %add3A_58 : i32
    %dma_wait3A_60 = arith.constant 0 : i32
    %dma_wait3A_61 = arith.constant 0 : i32
    %dma_wait3A_62 = arith.constant 0 : i32
    %dma_wait3A_63 = tpu.memref_slice %arg6[%dma_wait3A_60, %dma_wait3A_61, %dma_wait3A_62] : memref<2x128x56xf32, #tpu.memory_space<vmem>> -> memref<1x128x56xf32, #tpu.memory_space<vmem>>
    %dma_wait3A_64 = tpu.memref_squeeze %dma_wait3A_63 : memref<1x128x56xf32, #tpu.memory_space<vmem>> -> memref<128x56xf32, #tpu.memory_space<vmem>>
    %dma_wait3A_65 = arith.constant 0 : i32
    %dma_wait3A_66 = tpu.memref_slice %arg4[%add3A_59, %dma_wait3A_65] : memref<204800x56xf32, #tpu.memory_space<hbm>> -> memref<128x56xf32, #tpu.memory_space<hbm>>
    %dma_wait3A_67 = arith.constant 0 : i32
    %dma_wait3A_68 = tpu.memref_slice %arg4[%add3A_59, %dma_wait3A_67] : memref<204800x56xf32, #tpu.memory_space<hbm>> -> memref<128x56xf32, #tpu.memory_space<hbm>>
    %dma_wait3A_69 = arith.constant 0 : i32
    %dma_wait3A_70 = arith.constant 0 : i32
    %dma_wait3A_71 = tpu.memref_slice %arg6[%dma_wait3A_60, %dma_wait3A_69, %dma_wait3A_70] : memref<2x128x56xf32, #tpu.memory_space<vmem>> -> memref<1x128x56xf32, #tpu.memory_space<vmem>>
    %dma_wait3A_72 = tpu.memref_squeeze %dma_wait3A_71 : memref<1x128x56xf32, #tpu.memory_space<vmem>> -> memref<128x56xf32, #tpu.memory_space<vmem>>
    tpu.wait_dma2 semaphore(%arg9 : memref<!tpu.dma_semaphore, #tpu.memory_space<semaphore_mem>>) src(%dma_wait3A_72 : memref<128x56xf32, #tpu.memory_space<vmem>>) dst(%dma_wait3A_68 : memref<128x56xf32, #tpu.memory_space<hbm>>)
    %dma_wait3A_73 = arith.constant 49 : i32
    %dma_wait3A_74 = arith.constant 1 : i32
    %dma_wait3A_75 = arith.constant 0 : i32
    %dma_wait3A_76 = arith.constant 0 : i32
    %dma_wait3A_77 = tpu.memref_slice %arg6[%dma_wait3A_74, %dma_wait3A_75, %dma_wait3A_76] : memref<2x128x56xf32, #tpu.memory_space<vmem>> -> memref<1x128x56xf32, #tpu.memory_space<vmem>>
    %dma_wait3A_78 = tpu.memref_squeeze %dma_wait3A_77 : memref<1x128x56xf32, #tpu.memory_space<vmem>> -> memref<128x56xf32, #tpu.memory_space<vmem>>
    %dma_wait3A_79 = arith.constant 0 : i32
    %dma_wait3A_80 = tpu.memref_slice %arg5[%dma_wait3A_73, %dma_wait3A_79] : memref<50x128xi32, #tpu.memory_space<vmem>> -> memref<1x128xi32, #tpu.memory_space<vmem>>
    %dma_wait3A_81 = tpu.memref_squeeze %dma_wait3A_80 : memref<1x128xi32, #tpu.memory_space<vmem>> -> memref<128xi32, #tpu.memory_space<vmem>>
    %dma_wait3A_82 = arith.constant 0 : i32
    %dma_wait3A_83 = arith.constant 0 : i32
    %dma_wait3A_84 = tpu.memref_slice %arg3[%dma_wait3A_82, %dma_wait3A_83] : memref<100000x56xf32, #tpu.memory_space<hbm>> -> memref<100000x56xf32, #tpu.memory_space<hbm>>
    tpu.wait_indirect_dma semaphore(%arg8 : memref<!tpu.dma_semaphore, #tpu.memory_space<semaphore_mem>>) src(%dma_wait3A_84 : memref<100000x56xf32, #tpu.memory_space<hbm>>) dst(%dma_wait3A_78 : memref<128x56xf32, #tpu.memory_space<vmem>>)
    %add3A_85 = arith.constant 6272 : i32
    %add3A_86 = arith.addi %mul3A_2, %add3A_85 : i32
    %dma_start3A_87 = arith.constant 1 : i32
    %dma_start3A_88 = arith.constant 0 : i32
    %dma_start3A_89 = arith.constant 0 : i32
    %dma_start3A_90 = tpu.memref_slice %arg6[%dma_start3A_87, %dma_start3A_88, %dma_start3A_89] : memref<2x128x56xf32, #tpu.memory_space<vmem>> -> memref<1x128x56xf32, #tpu.memory_space<vmem>>
    %dma_start3A_91 = tpu.memref_squeeze %dma_start3A_90 : memref<1x128x56xf32, #tpu.memory_space<vmem>> -> memref<128x56xf32, #tpu.memory_space<vmem>>
    %dma_start3A_92 = arith.constant 0 : i32
    %dma_start3A_93 = tpu.memref_slice %arg4[%add3A_86, %dma_start3A_92] : memref<204800x56xf32, #tpu.memory_space<hbm>> -> memref<128x56xf32, #tpu.memory_space<hbm>>
    %dma_start3A_94 = arith.constant 0 : i32
    %dma_start3A_95 = tpu.memref_slice %arg4[%add3A_86, %dma_start3A_94] : memref<204800x56xf32, #tpu.memory_space<hbm>> -> memref<128x56xf32, #tpu.memory_space<hbm>>
    %dma_start3A_96 = arith.constant 0 : i32
    %dma_start3A_97 = arith.constant 0 : i32
    %dma_start3A_98 = tpu.memref_slice %arg6[%dma_start3A_87, %dma_start3A_96, %dma_start3A_97] : memref<2x128x56xf32, #tpu.memory_space<vmem>> -> memref<1x128x56xf32, #tpu.memory_space<vmem>>
    %dma_start3A_99 = tpu.memref_squeeze %dma_start3A_98 : memref<1x128x56xf32, #tpu.memory_space<vmem>> -> memref<128x56xf32, #tpu.memory_space<vmem>>
    tpu.enqueue_dma source(%dma_start3A_99 : memref<128x56xf32, #tpu.memory_space<vmem>>) target(%dma_start3A_95 : memref<128x56xf32, #tpu.memory_space<hbm>>) target_semaphore(%arg10 : memref<!tpu.dma_semaphore, #tpu.memory_space<semaphore_mem>>)
    %add3A_100 = arith.constant 6272 : i32
    %add3A_101 = arith.addi %mul3A_2, %add3A_100 : i32
    %dma_wait3A_102 = arith.constant 1 : i32
    %dma_wait3A_103 = arith.constant 0 : i32
    %dma_wait3A_104 = arith.constant 0 : i32
    %dma_wait3A_105 = tpu.memref_slice %arg6[%dma_wait3A_102, %dma_wait3A_103, %dma_wait3A_104] : memref<2x128x56xf32, #tpu.memory_space<vmem>> -> memref<1x128x56xf32, #tpu.memory_space<vmem>>
    %dma_wait3A_106 = tpu.memref_squeeze %dma_wait3A_105 : memref<1x128x56xf32, #tpu.memory_space<vmem>> -> memref<128x56xf32, #tpu.memory_space<vmem>>
    %dma_wait3A_107 = arith.constant 0 : i32
    %dma_wait3A_108 = tpu.memref_slice %arg4[%add3A_101, %dma_wait3A_107] : memref<204800x56xf32, #tpu.memory_space<hbm>> -> memref<128x56xf32, #tpu.memory_space<hbm>>
    %dma_wait3A_109 = arith.constant 0 : i32
    %dma_wait3A_110 = tpu.memref_slice %arg4[%add3A_101, %dma_wait3A_109] : memref<204800x56xf32, #tpu.memory_space<hbm>> -> memref<128x56xf32, #tpu.memory_space<hbm>>
    %dma_wait3A_111 = arith.constant 0 : i32
    %dma_wait3A_112 = arith.constant 0 : i32
    %dma_wait3A_113 = tpu.memref_slice %arg6[%dma_wait3A_102, %dma_wait3A_111, %dma_wait3A_112] : memref<2x128x56xf32, #tpu.memory_space<vmem>> -> memref<1x128x56xf32, #tpu.memory_space<vmem>>
    %dma_wait3A_114 = tpu.memref_squeeze %dma_wait3A_113 : memref<1x128x56xf32, #tpu.memory_space<vmem>> -> memref<128x56xf32, #tpu.memory_space<vmem>>
    tpu.wait_dma2 semaphore(%arg10 : memref<!tpu.dma_semaphore, #tpu.memory_space<semaphore_mem>>) src(%dma_wait3A_114 : memref<128x56xf32, #tpu.memory_space<vmem>>) dst(%dma_wait3A_110 : memref<128x56xf32, #tpu.memory_space<hbm>>)
    return
  }
}

</mosaic_0001>

<sc_bundles>
// kernel: kernel.3.cloned.1.call-start
scs
__scs_entry_jumppad:
0x0: {  	(pc) =	sbr.rel $0x88, $3  }
0x1: {  	(tag) =	ssettag $0x0;
	lr =	simm.s32 $0x1  }
0x2: {  	[smem:$0x3F9F] =	sst lr;
	_ =	strace $0xD0000000  }
0x3: {  	_ = 	snop  }
0x4: {  	_ = 	snop  }
0x5: {  	_ = 	snop  }
0x6: {  	_ = 	snop  }
0x7: {  	_ = 	snop  }
__scs_overlays_trampoline_lowered:
0x8: {  	[smem:$0x3FAE] =	sst s0  }
0x9: {  	[smem:$0x3FAF] =	sst s1  }
0xa: {  	[smem:$0x3FB0] =	sst s2  }
0xb: {  	[smem:$0x3FB1] =	sst s3  }
0xc: {  	[smem:$0x3FB2] =	sst s4  }
0xd: {  	[smem:$0x3FB3] =	sst s5  }
0xe: {  	[smem:$0x3FB4] =	sst s6  }
0xf: {  	[smem:$0x3FB5] =	sst s7  }
0x10: {  	[smem:$0x3FB6] =	sst s8  }
0x11: {  	[smem:$0x3FB7] =	sst s9;
	s0 =	simm.s32 @!p0 $0x0  }
0x12: {  	s1 =	sld [smem:$0x3F9D];
	s0 =	simm.s32 @p0 $0x1  }
0x13: {  	[smem:$0x3FB8] =	sst s0;
	s0 =	simm.s32 @!p1 $0x0  }
0x14: {  	s2 =	sld [smem:$0x3F9C];
	s0 =	simm.s32 @p1 $0x1  }
0x15: {  	[smem:$0x3FB9] =	sst s0;
	s0 =	simm.s32 @!p2 $0x0  }
0x16: {  	s3 =	sld [smem:$0x3FDB];
	s0 =	simm.s32 @p2 $0x1  }
0x17: {  	s4 =	simm.s32 $0x1BF5;
	[smem:$0x3FBB] =	sst s0  }
0x18: {  	s0 =	sld [smem:$0x3F9E];
	_ =	swait.ge [sflag:s4], $0x0  }
0x19: {  	s7 =	sld [smem:$0x3F9F]  }
0x1a: {  	s8 =	sadd.s32 $0xFFFFE003, lr  }
0x1b: {  	s9 =	sadd.s32 $0xFFFFFEF7, lr;
	s5 =	simm.s32 $0xFFFFFFFF;
	p2 =	slt.u32 s8, $0xFFFFF086  }
0x1c: {  	p1 =	slt.u32 s9, $0xF7A;
	s5 =	simm.s32 @!p2 $0x0  }
0x1d: {  	s5 =	simm.s32 @p1 $0x1;
	p0 =	seq.s32 s7, s2  }
0x1e: {  	s7 =	smul.u32 @!p0 $0xF7A, s2;
	p2 =	seq.s32 @!p0 s5, $0x0  }
0x1f: {  	s9 =	smul.u32 $0xF7A, s1;
	s8 =	simm.s32 @!p0 $0x1BF5;
	p2 =	por !p2, p0  }
0x20: {  	[sflag:s8] =	ssyncset.s32 @!p0 $0xFFFFF086;
	s6 =	sadd.s32 @!p0 s3, s7;
	s7 =	simm.s32 @!p0 $0x108  }
0x21: {  	s3 =	sadd.s32 s3, s9;
	s6 =	sadd.s32 @!p0 $0x88, s6;
	s7 =	simm.s32 @p2 $0x1082  }
0x22: {  	[simem:s7], [sflag:s8] =	dma.local @!p0 [hbm:s6], $0xF7A  }
0x23: {  	s9 =	sor.u32 $0xD0000000, s2;
	s6 =	simm.s32 $0x108;
	_ =	swait.ge @!p0 [sflag:s8], $0x0  }
0x24: {  	s3 =	sadd.s32 $0x88, s3;
	s6 =	simm.s32 @!p1 $0x1082;
	[sflag:s4] =	ssyncset.s32 $0xFFFFF086  }
0x25: {  	[simem:s6], [sflag:s4] =	dma.local [hbm:s3], $0xF7A  }
0x26: {  	[smem:$0x3F9F] =	sst s1;
	(tag) =	ssettag s2;
	_ =	strace s9  }
0x27: {  	s1 =	sld [smem:$0x3FAF]  }
0x28: {  	s2 =	sld [smem:$0x3FB0]  }
0x29: {  	s4 =	sld [smem:$0x3FB2]  }
0x2a: {  	p0 =	seq.s32 s5, $0x0;
	s5 =	sld [smem:$0x3FB3]  }
0x2b: {  	s6 =	sld [smem:$0x3FB4]  }
0x2c: {  	s7 =	sld [smem:$0x3FB5]  }
0x2d: {  	s3 =	simm.s32 $0x108;
	s8 =	sld [smem:$0x3FB6]  }
0x2e: {  	s3 =	simm.s32 @!p0 $0x1082;
	s9 =	sld [smem:$0x3FB7]  }
0x2f: {  	lr =	sadd.s32 s0, s3;
	s0 =	sld [smem:$0x3FAE]  }
0x30: {  	s3 =	sld [smem:$0x3FB1]  }
0x31: {  	[smem:$0x3FBA] =	sst s10  }
0x32: {  	s10 =	sld [smem:$0x3FB8];
	_ =	sdelay $0x3  }
0x33: {  	p0 =	seq.s32 s10, $0x1;
	s10 =	sld [smem:$0x3FBA];
	_ =	sdelay $0x3  }
0x34: {  	[smem:$0x3FBA] =	sst s10  }
0x35: {  	s10 =	sld [smem:$0x3FB9];
	_ =	sdelay $0x3  }
0x36: {  	p1 =	seq.s32 s10, $0x1;
	s10 =	sld [smem:$0x3FBA];
	_ =	sdelay $0x3  }
0x37: {  	[smem:$0x3FBA] =	sst s10  }
0x38: {  	s10 =	sld [smem:$0x3FBB]  }
0x39: {  	_ = 	snop;
	(pc) =	sbr.ind lr, $3  }
0x3a: {  	_ = 	snop  }
0x3b: {  	_ = 	snop  }
0x3c: {  	p2 =	seq.s32 s10, $0x1;
	s10 =	sld [smem:$0x3FBA]  }
0x3d: {  	_ =	shalt  }
0x3e: {  	_ =	shalt  }
0x3f: {  	_ =	shalt  }
0x40: {  	_ =	shalt  }
0x41: {  	_ =	shalt  }
0x42: {  	_ =	shalt  }
0x43: {  	_ =	shalt  }
0x44: {  	_ =	shalt  }
0x45: {  	_ =	shalt  }
0x46: {  	_ =	shalt  }
0x47: {  	_ =	shalt  }
0x48: {  	_ =	shalt  }
0x49: {  	_ =	shalt  }
0x4a: {  	_ =	shalt  }
0x4b: {  	_ =	shalt  }
0x4c: {  	_ =	shalt  }
0x4d: {  	_ =	shalt  }
0x4e: {  	_ =	shalt  }
0x4f: {  	_ =	shalt  }
0x50: {  	_ =	shalt  }
0x51: {  	_ =	shalt  }
0x52: {  	_ =	shalt  }
0x53: {  	_ =	shalt  }
0x54: {  	_ =	shalt  }
0x55: {  	_ =	shalt  }
0x56: {  	_ =	shalt  }
0x57: {  	_ =	shalt  }
0x58: {  	_ =	shalt  }
0x59: {  	_ =	shalt  }
0x5a: {  	_ =	shalt  }
0x5b: {  	_ =	shalt  }
0x5c: {  	_ =	shalt  }
0x5d: {  	_ =	shalt  }
0x5e: {  	_ =	shalt  }
0x5f: {  	_ =	shalt  }
0x60: {  	_ =	shalt  }
0x61: {  	_ =	shalt  }
0x62: {  	_ =	shalt  }
0x63: {  	_ =	shalt  }
0x64: {  	_ =	shalt  }
0x65: {  	_ =	shalt  }
0x66: {  	_ =	shalt  }
0x67: {  	_ =	shalt  }
0x68: {  	_ =	shalt  }
0x69: {  	_ =	shalt  }
0x6a: {  	_ =	shalt  }
0x6b: {  	_ =	shalt  }
0x6c: {  	_ =	shalt  }
0x6d: {  	_ =	shalt  }
0x6e: {  	_ =	shalt  }
0x6f: {  	_ =	shalt  }
0x70: {  	_ =	shalt  }
0x71: {  	_ =	shalt  }
0x72: {  	_ =	shalt  }
0x73: {  	_ =	shalt  }
0x74: {  	_ =	shalt  }
0x75: {  	_ =	shalt  }
0x76: {  	_ =	shalt  }
0x77: {  	_ =	shalt  }
0x78: {  	_ =	shalt  }
0x79: {  	_ =	shalt  }
0x7a: {  	_ =	shalt  }
0x7b: {  	_ =	shalt  }
0x7c: {  	_ =	shalt  }
0x7d: {  	_ =	shalt  }
0x7e: {  	_ =	shalt  }
0x7f: {  	_ =	shalt  }
0x80: {  	_ =	shalt  }
0x81: {  	_ =	shalt  }
0x82: {  	_ =	shalt  }
0x83: {  	_ =	shalt  }
0x84: {  	_ =	shalt  }
0x85: {  	_ =	shalt  }
0x86: {  	_ =	shalt  }
0x87: {  	_ =	shalt  }
.Lfunc_end0:
.L_simem_size_0:
called_computation.1_lowered:
.L_overlay_start_0:
0x88: {  	s2 =	sld [smem:$0x3FD9]  }
0x89: {  	s3 =	sld [smem:$0x3FFE];
	_ =	sdelay $0x1  }
0x8a: {  	s1 =	srdreg.scid  }
0x8b: {  	s0 =	sand.u32 $0x1, s1  }
0x8c: {  	s17 =	sshll.u32 s0, $0xA;
	s2 =	sadd.s32 s3, s2  }
0x8d: {  	s2 =	sadd.s32 s2, s17  }
0x8e: {  	[smem:$0x3FC6] =	sst s2  }
0x8f: {  	_ = 	snop  }
0x90: {  	s2 =	sld [smem:$0x3FD0];
	(tm) =	ssettm $0x1  }
0x91: {  	s18 =	sld [smem:$0x3FFB];
	_ =	sdelay $0x3  }
0x92: {  	_ =	strace s18  }
0x93: {  	s3 =	sld [smem:$0x3FFC];
	_ =	sdelay $0x3  }
0x94: {  	_ =	strace s3  }
0x95: {  	s3 =	sld [smem:$0x3FFD];
	_ =	sdelay $0x3  }
0x96: {  	_ =	strace s3  }
0x97: {  	_ =	strace $0x8FFFFFFF  }
0x98: {  	s19 =	sld [smem:$0x3FDB];
	_ =	sdelay $0x1  }
0x99: {  	s4 =	simm.s32 $_scs_section_size  }
0x9a: {  	s5 =	simm.s32 $_size__tile_overlayer_lowered;
	s6 =	simm.s32 $_tile_overlayer_lowered  }
0x9b: {  	s22 =	simm.s32 $0x1BFF;
	s21 =	sshll.u32 s6, $0x1;
	s3 =	sadd.s32 s4, s19  }
0x9c: {  	s7 =	simm.s32 $0x0;
	s20 =	sshll.u32 s5, $0x1;
	s5 =	sadd.s32 s21, s3  }
0x9d: {  	[timem:s7], [sflag:s22] =	dma.local [hbm:s5], s20  }
0x9e: {  	_ =	swait.ge [sflag:s22], s20  }
0x9f: {  	s4 =	ssub.s32 $0x0, s20;
	[sflag:s22] =	ssyncset.done $0x0  }
0xa0: {  	[sflag:s22] =	ssyncadd.s32 s4;
	_ =	sdelay $0x1  }
0xa1: {  	s23 =	simm.s32 $0x1B8B  }
0xa2: {  	_ =	swait.ge [sflag:s23], $0x1  }
0xa3: {  	[sflag:s23] =	ssyncset.done $0x0  }
0xa4: {  	s25 =	simm.s32 $0x1B8E;
	s24 =	sld [smem:$0x3FFE];
	[sflag:s23] =	ssyncadd.s32 $0xFFFFFFFF  }
0xa5: {  	s26 =	simm.s32 $execute0_lowered;
	[smem:$0x3FD2] =	sst s25  }
0xa6: {  	s5 =	sshll.u32 s26, $0x1;
	_ =	strace $0x80000046;
	[dreg:$0x1] =	wrdreg $0xFFFFFFFF  }
0xa7: {  	s28 =	simm.s32 $_size_execute0_lowered;
	s3 =	sadd.s32 s3, s5;
	[dreg:$0x0] =	wrdreg $0x0  }
0xa8: {  	s5 =	sshll.u32 s28, $0x1;
	[dreg:$0x2] =	wrdreg s3  }
0xa9: {  	[dreg:$0x3] =	wrdreg s5  }
0xaa: {  	[dreg:$0x4] =	wrdreg $0xC0  }
0xab: {  	_ =	task [dreg:s7], $0x5FFFF  }
0xac: {  	[dreg:$0x1] =	wrdreg $0xFFFFFFFF  }
0xad: {  	[dreg:$0x0] =	wrdreg $0x60  }
0xae: {  	[dreg:$0x2] =	wrdreg s24  }
0xaf: {  	[dreg:$0x3] =	wrdreg s2  }
0xb0: {  	[dreg:$0x4] =	wrdreg $0x9  }
0xb1: {  	_ =	task.clear_ibuf [dreg:s7], $0x5FFFF;
	_ =	strace $0x90000046  }
0xb2: {  	s29 =	simm.s32 $0x9;
	_ =	strace $0x80000048  }
0xb3: {  	_ =	swait.ge [sflag:s29], $0x1  }
0xb4: {  	[sflag:s29] =	ssyncadd.s32 $0xFFFFFFFF  }
0xb5: {  	_ =	strace $0x90000048  }
0xb6: {  	_ =	sfence  }
0xb7: {  	s30 =	sld [smem:$0x0];
	_ =	sdelay $0x2  }
0xb8: {  	s31 =	sshll.u32 s1, $0xD;
	s1 =	sshrl.u32 s1, $0x2  }
0xb9: {  	s3 =	sand.u32 $0x4000, s31;
	s1 =	sadd.s32 s1, s30  }
0xba: {  	s0 =	sor.u32 s3, s0;
	s1 =	sshll.u32 s1, $0x11  }
0xbb: {  	s0 =	sor.u32 s1, s0  }
0xbc: {  	s0 =	sadd.s32 $0x8F2B, s0  }
0xbd: {  	[sflag:s0] =	ssyncadd.remote.s32 $0x1  }
0xbe: {  	_ =	sfence.sel $0xFFFF  }
0xbf: {  	[dreg:$0x0] =	wrdreg $0xFFFFFFFF;
	(pc) =	sbr.abs _section_cstart, $3  }
0xc0: {  	[dreg:$0x1] =	wrdreg $0xFFFFFFFF  }
0xc1: {  	_ =	task.clear_ibuf [dreg:s7], $0x2FFFF;
	_ =	strace $0x9FFFFFFF  }
0xc2: {  	(tm) =	ssettm $0x7FFFFFFF  }
0xc3: {  	_ =	shalt  }
tec
execute0_lowered:
.L_overlay_start_1:
0x0: {  	(tag) =	ssettag $0x1  }
0x1: {  	s3 =	rddreg [dreg:$0x0];
	s1 =	srdreg.scid  }
0x2: {  	s0 =	stileid.u32;
	s6 =	rddreg [dreg:$0x1]  }
0x3: {  	s2 =	simm.s32 $0x0;
	s12 =	simm.s32 $0x3500;
	s13 =	simm.s32 $0x1  }
0x4: {  	s14 =	simm.s32 $0x3;
	s15 =	simm.s32 $0x2;
	s16 =	simm.s32 $0x4  }
0x5: {  	s17 =	simm.s32 $0x0;
	s4 =	sand.u32 $0x1, s1;
	s5 =	sshll.u32 s0, $0x1  }
0x6: {  	s1 =	rddreg [dreg:$0x2];
	s10 =	smul.u32 $0x15E00, s0;
	s5 =	sor.u32 s4, s5  }
0x7: {  	[smem:$0x7FF] =	sst s2;
	s8 =	ssub.s32 $0x2, s4;
	s7 =	smul.u32 $0x320, s5  }
0x8: {  	_ =	strace $0x80000047;
	s5 =	smul.u32 $0x57800, s5;
	s9 =	sshrl.u32 s8, $0x1  }
0x9: {  	s11 =	smul.u32 $0xAF00, s4;
	s10 =	sadd.s32 s10, s6;
	s8 =	ssub.s32 s8, s9  }
0xa: {  	s9 =	simm.s32 $0x5;
	s7 =	sadd.s32 s7, s3;
	s5 =	sshrl.u32 s5, $0x3  }
0xb: {  	s3 =	sadd.s32 $0x6C00, s3;
	s31 =	sadd.s32 s6, s5;
	s4 =	sadd.s32 $0x800, s7  }
0xc: {  	s7 =	smax.u32 s8, $0x1;
	s8 =	sadd.s32 s11, s10;
	s10 =	simm.s32 $0x80  }
0xd: {  	s11 =	simm.s32 $0x1900;
	s5 =	sadd.s32 $0xA800, s31;
	s6 =	sadd.s32 $0xAB80, s31  }
.LBB2_1:
0xe: {  	[tilespmem:s2], [sflag:$0x5] =	stream.linear.gather [hbm4b:s4+s2], $0x1900, $0x38;
	[tilespmem:$0x5100] =	vst v63  }
0xf: {  	_ =	swait.ge [sflag:s9], $0x1900  }
0x10: {  	[sflag:s9] =	ssyncset.done $0x0  }
0x11: {  	[sflag:s9] =	ssyncadd.s32 $0xFFFFE700  }
0x12: {  	[tilespmem:s11], [sflag:$0x1] =	stream.indirect.gather [hbm4b:s3+s10], $0x38, s2, s10, $0xb8;
	[tilespmem:$0x5100] =	vst v63  }
0x13: {  	_ = 	snop  }
0x14: {  	[tilespmem:s12], [sflag:$0x2] =	stream.indirect.gather [hbm4b:s3+s10], $0x38, s10, s10, $0xb8;
	[tilespmem:$0x5100] =	vst v63  }
0x15: {  	_ =	swait.ge [sflag:s13], $0x1C00  }
0x16: {  	[sflag:s13] =	ssyncset.done $0x0  }
0x17: {  	s18 =	sadd.s32 $0x0, s8;
	[sflag:s13] =	ssyncadd.s32 $0xFFFFE400  }
0x18: {  	[hbm4b:s18+s2] =	stream.linear.scatter [tilespmem:s11], [sflag:$0x3], $0x1C00, $0x38;
	[tilespmem:$0x5100] =	vst v63  }
0x19: {  	_ =	swait.ge [sflag:s14], $0x1C00  }
0x1a: {  	[sflag:s14] =	ssyncset.done $0x0  }
0x1b: {  	s19 =	simm.s32 $0x100;
	[sflag:s14] =	ssyncadd.s32 $0xFFFFE400  }
0x1c: {  	[tilespmem:s11], [sflag:$0x1] =	stream.indirect.gather [hbm4b:s3+s10], $0x38, s19, s10, $0xb8;
	[tilespmem:$0x5100] =	vst v63  }
0x1d: {  	_ =	swait.ge [sflag:s15], $0x1C00  }
0x1e: {  	[sflag:s15] =	ssyncset.done $0x0  }
0x1f: {  	s18 =	sadd.s32 $0x380, s18;
	[sflag:s15] =	ssyncadd.s32 $0xFFFFE400  }
0x20: {  	[hbm4b:s18+s2] =	stream.linear.scatter [tilespmem:s12], [sflag:$0x4], $0x1C00, $0x38;
	[tilespmem:$0x5100] =	vst v63  }
0x21: {  	_ =	swait.ge [sflag:s16], $0x1C00  }
0x22: {  	s20 =	simm.s32 $0x280;
	[sflag:s16] =	ssyncset.done $0x0  }
0x23: {  	s19 =	simm.s32 $0x700;
	s18 =	simm.s32 $0x180;
	[sflag:s16] =	ssyncadd.s32 $0xFFFFE400  }
.LBB2_2:
0x24: {  	[tilespmem:s12], [sflag:$0x2] =	stream.indirect.gather [hbm4b:s3+s10], $0x38, s18, s10, $0xb8;
	[tilespmem:$0x5100] =	vst v63  }
0x25: {  	s21 =	smov.u32 s19;
	s18 =	smov.u32 s20  }
0x26: {  	p0 =	sne.s32 s19, $0xA100;
	s19 =	sadd.s32 $0x700, s19;
	_ =	swait.ge [sflag:s13], $0x1C00  }
0x27: {  	[sflag:s13] =	ssyncset.done $0x0  }
0x28: {  	s21 =	sadd.s32 s21, s8;
	[sflag:s13] =	ssyncadd.s32 $0xFFFFE400  }
0x29: {  	[hbm4b:s21+s2] =	stream.linear.scatter [tilespmem:s11], [sflag:$0x3], $0x1C00, $0x38;
	[tilespmem:$0x5100] =	vst v63  }
0x2a: {  	_ =	swait.ge [sflag:s14], $0x1C00  }
0x2b: {  	[sflag:s14] =	ssyncset.done $0x0  }
0x2c: {  	s22 =	sadd.s32 $0xFFFFFF80, s20;
	[sflag:s14] =	ssyncadd.s32 $0xFFFFE400  }
0x2d: {  	[tilespmem:s11], [sflag:$0x1] =	stream.indirect.gather [hbm4b:s3+s10], $0x38, s22, s10, $0xb8;
	[tilespmem:$0x5100] =	vst v63  }
0x2e: {  	_ =	swait.ge [sflag:s15], $0x1C00  }
0x2f: {  	[sflag:s15] =	ssyncset.done $0x0  }
.Ltmp0:
0x30: {  	s21 =	sadd.s32 $0x380, s21;
	[sflag:s15] =	ssyncadd.s32 $0xFFFFE400;
	(pc) =	sbr.rel @p0 .LBB2_2-.Ltmp0, $4  }
0x31: {  	[hbm4b:s21+s2] =	stream.linear.scatter [tilespmem:s12], [sflag:$0x4], $0x1C00, $0x38;
	[tilespmem:$0x5100] =	vst v63  }
0x32: {  	_ =	swait.ge [sflag:s16], $0x1C00  }
0x33: {  	[sflag:s16] =	ssyncset.done $0x0  }
0x34: {  	s20 =	sadd.s32 $0x100, s20;
	[sflag:s16] =	ssyncadd.s32 $0xFFFFE400  }
0x35: {  	[tilespmem:s12], [sflag:$0x2] =	stream.indirect.gather [hbm4b:s3+s10], $0x38, s18, s10, $0xb8;
	[tilespmem:$0x5100] =	vst v63  }
0x36: {  	_ =	swait.ge [sflag:s13], $0x1C00  }
0x37: {  	[sflag:s13] =	ssyncset.done $0x0  }
0x38: {  	[sflag:s13] =	ssyncadd.s32 $0xFFFFE400  }
0x39: {  	[hbm4b:s5+s2] =	stream.linear.scatter [tilespmem:s11], [sflag:$0x3], $0x1C00, $0x38;
	[tilespmem:$0x5100] =	vst v63  }
0x3a: {  	_ =	swait.ge [sflag:s14], $0x1C00  }
0x3b: {  	[sflag:s14] =	ssyncset.done $0x0  }
0x3c: {  	[sflag:s14] =	ssyncadd.s32 $0xFFFFE400  }
0x3d: {  	s17 =	sadd.s32 $0x1, s17;
	_ =	swait.ge [sflag:s15], $0x1C00  }
0x3e: {  	p0 =	sne.s32 s17, s7;
	[sflag:s15] =	ssyncset.done $0x0  }
.Ltmp1:
0x3f: {  	[sflag:s15] =	ssyncadd.s32 $0xFFFFE400;
	(pc) =	sbr.rel @p0 .LBB2_1-.Ltmp1, $4  }
0x40: {  	[hbm4b:s6+s2] =	stream.linear.scatter [tilespmem:s12], [sflag:$0x4], $0x1C00, $0x38;
	[tilespmem:$0x5100] =	vst v63  }
0x41: {  	_ =	swait.ge [sflag:s16], $0x1C00  }
0x42: {  	[sflag:s16] =	ssyncset.done $0x0  }
0x43: {  	[sflag:s16] =	ssyncadd.s32 $0xFFFFE400  }
0x44: {  	_ =	sfence.sel $0x180000  }
0x45: {  	[bflag:$0x0] =	sbarrier.arrive $0xFFFF  }
0x46: {  	p0 =	sne.s32 s0, $0x0;
	_ =	strace $0x90000047  }
0x47: {  	s0 =	sadd.s32 @!p0 $0x100000, s1;
	[bflag:$0x2] =	sbarrier.arrive $0xFFFF  }
0x48: {  	[sflag:s0] =	ssyncadd.tile.s32 @!p0 $0x1;
	_ =	shalt  }
.Lfunc_end2:
_tile_overlayer_lowered:
.L_overlay_start_2:
0x49: {  	(tag) =	ssettag $0x2  }
0x4a: {  	s0 =	rddreg [dreg:$0x0];
	s2 =	stileid.u32  }
0x4b: {  	s1 =	rddreg [dreg:$0x1];
	p0 =	sne.s32 s2, $0x0  }
0x4c: {  	s3 =	rddreg [dreg:$0x2];
	[bflag:$0x3] =	sbarrier.arrive $0xFFFF;
	s2 =	simm.s32 @!p0 $0x1C05  }
0x4d: {  	[timem:s3], [sflag:s2] =	dma.local @!p0 [hbm:s0], s1  }
0x4e: {  	s0 =	simm.s32 @!p0 $0x5  }
0x4f: {  	_ =	swait.ge @!p0 [sflag:s0], s1  }
0x50: {  	s1 =	ssub.s32 @!p0 $0x0, s1;
	[sflag:s0] =	ssyncset.done @!p0 $0x0  }
0x51: {  	[sflag:s0] =	ssyncadd.s32 @!p0 s1  }
0x52: {  	[bflag:$0x3] =	sbarrier.arrive $0xFFFF  }
0x53: {  	_ =	shalt  }

// kernel: sparse-core-data-format-call.cloned.1.call-start
scs
called_computation_lowered:
.L_overlay_start_0:
0x0: {  	s2 =	sld [smem:$0x3FD9]  }
0x1: {  	s3 =	sld [smem:$0x3FFE];
	_ =	sdelay $0x1  }
0x2: {  	s1 =	srdreg.scid  }
0x3: {  	s0 =	sand.u32 $0x1, s1  }
0x4: {  	s18 =	sshll.u32 s0, $0xA;
	s2 =	sadd.s32 s3, s2  }
0x5: {  	s2 =	sadd.s32 s2, s18  }
0x6: {  	[smem:$0x3FC6] =	sst s2  }
0x7: {  	_ = 	snop  }
0x8: {  	s2 =	sld [smem:$0x3FD0];
	(tm) =	ssettm $0x1  }
0x9: {  	s19 =	sld [smem:$0x3FFB];
	_ =	sdelay $0x3  }
0xa: {  	_ =	strace s19  }
0xb: {  	s3 =	sld [smem:$0x3FFC];
	_ =	sdelay $0x3  }
0xc: {  	_ =	strace s3  }
0xd: {  	s3 =	sld [smem:$0x3FFD];
	_ =	sdelay $0x3  }
0xe: {  	_ =	strace s3  }
0xf: {  	_ =	strace $0x8FFFFFFF  }
0x10: {  	s20 =	sld [smem:$0x3FDB];
	_ =	sdelay $0x1  }
0x11: {  	s4 =	simm.s32 $_scs_section_size  }
0x12: {  	s5 =	simm.s32 $_size__tile_overlayer_lowered;
	s6 =	simm.s32 $_tile_overlayer_lowered  }
0x13: {  	s23 =	simm.s32 $0x1BFF;
	s22 =	sshll.u32 s6, $0x1;
	s3 =	sadd.s32 s4, s20  }
0x14: {  	s7 =	simm.s32 $0x0;
	s21 =	sshll.u32 s5, $0x1;
	s5 =	sadd.s32 s22, s3  }
0x15: {  	[timem:s7], [sflag:s23] =	dma.local [hbm:s5], s21  }
0x16: {  	_ =	swait.ge [sflag:s23], s21  }
0x17: {  	s4 =	ssub.s32 $0x0, s21;
	[sflag:s23] =	ssyncset.done $0x0  }
0x18: {  	[sflag:s23] =	ssyncadd.s32 s4;
	_ =	sdelay $0x1  }
0x19: {  	s24 =	simm.s32 $0x1B8B  }
0x1a: {  	_ =	swait.ge [sflag:s24], $0x1  }
0x1b: {  	[sflag:s24] =	ssyncset.done $0x0  }
0x1c: {  	s26 =	simm.s32 $0x1B8E;
	s25 =	sld [smem:$0x3FFE];
	[sflag:s24] =	ssyncadd.s32 $0xFFFFFFFF  }
0x1d: {  	s27 =	simm.s32 $execute0_lowered;
	[smem:$0x3FD2] =	sst s26  }
0x1e: {  	s5 =	sshll.u32 s27, $0x1;
	_ =	strace $0x80000049;
	[dreg:$0x1] =	wrdreg $0xFFFFFFFF  }
0x1f: {  	s28 =	simm.s32 $_size_execute0_lowered;
	s3 =	sadd.s32 s3, s5;
	[dreg:$0x0] =	wrdreg $0x0  }
0x20: {  	s5 =	sshll.u32 s28, $0x1;
	[dreg:$0x2] =	wrdreg s3  }
0x21: {  	[dreg:$0x3] =	wrdreg s5  }
0x22: {  	[dreg:$0x4] =	wrdreg $0xC0  }
0x23: {  	_ =	task [dreg:s7], $0x5FFFF  }
0x24: {  	[dreg:$0x1] =	wrdreg $0xFFFFFFFF  }
0x25: {  	[dreg:$0x0] =	wrdreg $0x60  }
0x26: {  	[dreg:$0x2] =	wrdreg s25  }
0x27: {  	[dreg:$0x3] =	wrdreg s2  }
0x28: {  	[dreg:$0x4] =	wrdreg $0x9  }
0x29: {  	_ =	task.clear_ibuf [dreg:s7], $0x5FFFF;
	_ =	strace $0x90000049  }
0x2a: {  	s29 =	simm.s32 $0x9;
	_ =	strace $0x8000004B  }
0x2b: {  	_ =	swait.ge [sflag:s29], $0x1  }
0x2c: {  	[sflag:s29] =	ssyncadd.s32 $0xFFFFFFFF  }
0x2d: {  	_ =	strace $0x9000004B  }
0x2e: {  	_ =	sfence  }
0x2f: {  	s30 =	sld [smem:$0x0];
	_ =	sdelay $0x2  }
0x30: {  	s31 =	sshll.u32 s1, $0xD;
	s1 =	sshrl.u32 s1, $0x2  }
0x31: {  	s3 =	sand.u32 $0x4000, s31;
	s1 =	sadd.s32 s1, s30  }
0x32: {  	s0 =	sor.u32 s3, s0;
	s1 =	sshll.u32 s1, $0x11  }
0x33: {  	s0 =	sor.u32 s1, s0  }
0x34: {  	s0 =	sadd.s32 $0x8F2B, s0  }
0x35: {  	[sflag:s0] =	ssyncadd.remote.s32 $0x1  }
0x36: {  	_ =	sfence.sel $0xFFFF  }
0x37: {  	[dreg:$0x0] =	wrdreg $0xFFFFFFFF;
	(pc) =	sbr.abs _section_cstart, $3  }
0x38: {  	[dreg:$0x1] =	wrdreg $0xFFFFFFFF  }
0x39: {  	_ =	task.clear_ibuf [dreg:s7], $0x2FFFF;
	_ =	strace $0x9FFFFFFF  }
0x3a: {  	(tm) =	ssettm $0x7FFFFFFF  }
0x3b: {  	_ =	shalt  }
tec
execute0_lowered:
.L_overlay_start_1:
0x0: {  	(tag) =	ssettag $0x1  }
0x1: {  	s0 =	srdreg.scid  }
0x2: {  	s1 =	sshll.u32 s0, $0x4  }
0x3: {  	s6 =	rddreg [dreg:$0x0];
	s0 =	stileid.u32;
	s1 =	sand.u32 $0x10, s1  }
0x4: {  	s3 =	rddreg [dreg:$0x1];
	s1 =	sor.u32 s0, s1  }
0x5: {  	s5 =	simm.s32 $0x1;
	s31 =	simm.s32 $0x2;
	s2 =	sshll.u32 s1, $0x7  }
0x6: {  	s15 =	simm.s32 $0x0;
	s8 =	simm.s32 $0x8000;
	s4 =	ssub.s32 $0x1000, s2  }
0x7: {  	s14 =	simm.s32 $0x0;
	s9 =	simm.s32 $0x0;
	s30 =	sand.u32 $0xF80, s4  }
0x8: {  	s10 =	simm.s32 $0x0;
	s11 =	simm.s32 $0x0;
	p0 =	sne.s32 s30, $0x0  }
.Ltmp0:
0x9: {  	s7 =	sshrl.u32 s4, $0xC;
	s5 =	simm.s32 @!p0 $0x0;
	(pc) =	sbr.rel .LBB1_1-.Ltmp0, $4  }
0xa: {  	s13 =	simm.s32 $0x0;
	s1 =	rddreg [dreg:$0x2];
	s5 =	sadd.s32 s5, s7  }
0xb: {  	_ =	strace $0x8000004A;
	s4 =	simm.s32 $0x1;
	s5 =	smul.u32 $0x32, s5  }
0xc: {  	s6 =	sadd.s32 $0x320800, s6;
	s12 =	smov.u32 s2;
	[sflag:s4] =	ssyncpa.u1 $0x0  }
0xd: {  	[sflag:s31] =	ssyncpa.u1 $0x0;
	p0 =	por $0x0, $0x0;
	s7 =	sor.u32 $0x1, s5  }
.LBB1_4:
0xe: {  	s18 =	sshll.u32 s10, $0x3  }
0xf: {  	p1 =	sgt.s32 s9, $0x31;
	s19 =	smov.u32 s9;
	s21 =	sshra.s32 s9, $0x1F  }
0x10: {  	s22 =	smov.u32 s10;
	s23 =	sshra.s32 s10, $0x1F;
	s25 =	sand.u32 $0x78, s10  }
0x11: {  	s27 =	smul.u32 $0x7000, s9;
	s28 =	sand.u32 $0x7, s10;
	s20 =	sshrl.u32 s18, $0xC  }
0x12: {  	s19 =	simm.s32 @!p1 $0x31;
	s21 =	sand.u32 s21, s9;
	p1 =	sgt.s32 s10, $0xF80  }
0x13: {  	s30 =	sand.u32 s23, s10;
	s18 =	sand.u32 $0xC00, s18;
	s19 =	ssub.s32 s19, s21  }
0x14: {  	s22 =	simm.s32 @!p1 $0xF80;
	s31 =	smulhi.u32 $0x4924925, s20;
	s24 =	ssub.s32 $0x32, s19  }
0x15: {  	s21 =	ssub.s32 s22, s30;
	s19 =	sadd.s32 $0xFFFFFFCF, s19;
	s24 =	smul.u32 $0x38, s24  }
0x16: {  	s23 =	smul.u32 $0x38, s31;
	p1 =	sgt.s32 s19, $0x0;
	s26 =	sadd.s32 $0xFFFFF080, s21  }
0x17: {  	s19 =	ssub.s32 $0x1000, s21;
	s24 =	simm.s32 @p1 $0x0;
	p1 =	sgt.s32 s26, $0x7F  }
0x18: {  	s18 =	sor.u32 s25, s18;
	s20 =	ssub.s32 s20, s23;
	s19 =	simm.s32 @p1 $0x0  }
0x19: {  	[tilespmem:s17+$0x810 ss:$0x81] =	vst.msk $0xffff, v2;
	s21 =	sadd.s32 s3, s27;
	s20 =	sshll.u32 s20, $0x9;
	s19 =	smul.u32 s19, s24  }
0x1a: {  	[tilespmem:s17+$0x1020 ss:$0x81] =	vst.msk $0xffff, v0;
	s29 =	sshll.u32 s28, $0x12;
	s18 =	sshrl.u32 s18, $0x3;
	s20 =	sadd.s32 s20, s21  }
0x1b: {  	[tilespmem:s17+$0x0 ss:$0x81] =	vst.msk $0xffff, v1;
	s31 =	sor.u32 $0x400, s29;
	s18 =	sadd.s32 s18, s20;
	s30 =	sand.u32 $0x3FFFFFF8, s19  }
0x1c: {  	[hbm4b:s18+s31] =	stream.strided.scatter [tilespmem:s16], [sflag:$0x2], s30, s8, s31, $0x20;
	[tilespmem:$0x8080] =	vst v63  }
.LBB1_5:
0x1d: {  	p1 =	slt.u32 s13, $0x2  }
0x1e: {  	s17 =	smov.u32 s15;
	p2 =	sgt.s32 @!p1 s15, $0x31;
	s16 =	sshra.s32 @!p1 s15, $0x1F  }
0x1f: {  	p3 =	sgt.s32 @!p1 s14, $0xF80;
	s18 =	sshra.s32 @!p1 s14, $0x1F;
	p2 =	por !p2, p1  }
0x20: {  	s15 =	sand.u32 @!p1 s16, s15;
	p3 =	por !p3, p1;
	s16 =	smov.u32 s14  }
0x21: {  	s14 =	sand.u32 @!p1 s18, s14;
	s17 =	simm.s32 @p2 $0x31;
	s16 =	simm.s32 @p3 $0xF80  }
0x22: {  	s18 =	smov.u32 s12;
	s15 =	ssub.s32 @!p1 s17, s15;
	s14 =	ssub.s32 @!p1 s16, s14  }
0x23: {  	s16 =	sadd.s32 @!p1 $0xFFFFFFCF, s15;
	s15 =	ssub.s32 @!p1 $0x32, s15;
	s17 =	sadd.s32 @!p1 $0xFFFFF080, s14  }
0x24: {  	p2 =	sgt.s32 @!p1 s16, $0x0;
	s15 =	smul.u32 @!p1 $0x38, s15;
	p3 =	sgt.s32 @!p1 s17, $0x7F  }
0x25: {  	s14 =	ssub.s32 @!p1 $0x1000, s14;
	p2 =	por !p2, p1;
	p3 =	por !p3, p1  }
0x26: {  	s16 =	sadd.s32 $0x1, s11;
	s15 =	simm.s32 @!p2 $0x0;
	s14 =	simm.s32 @!p3 $0x0  }
0x27: {  	p2 =	sgt.s32 s16, $0x31;
	s14 =	smul.u32 @!p1 s14, s15;
	s15 =	sadd.s32 $0x1000, s12  }
0x28: {  	s18 =	smov.u32 @p2 s15  }
0x29: {  	s16 =	simm.s32 @p2 $0x0;
	p2 =	sgt.s32 s18, $0xFFF  }
0x2a: {  	s18 =	smov.u32 @p2 s2;
	p2 =	sne.s32 s13, s7  }
.Ltmp1:
0x2b: {  	p0 =	por !p0, !p0;
	s17 =	simm.s32 @!p1 $0x2;
	(pc) =	sbr.rel @!p2 .LBB1_6-.Ltmp1, $4  }
0x2c: {  	s15 =	smov.u32 s9;
	s9 =	smov.u32 s11;
	s14 =	sand.u32 @!p1 $0x3FFFFFF8, s14  }
0x2d: {  	s11 =	smov.u32 s16;
	_ =	swait.ge @!p1 [sflag:s17], s14;
	s19 =	ssub.s32 @!p1 $0x0, s14  }
0x2e: {  	s14 =	smov.u32 s10;
	s13 =	sadd.s32 $0x1, s13;
	[sflag:s17] =	ssyncset.done @!p1 $0x0  }
0x2f: {  	s10 =	smov.u32 s12;
	s12 =	smov.u32 s18;
	[sflag:s17] =	ssyncadd.s32 @!p1 s19  }
.LBB1_1:
0x30: {  	p1 =	sge.u32 s13, s5  }
0x31: {  	s16 =	sand.u32 @!p1 $0x1FFFFFF, s11  }
0x32: {  	s17 =	smulhi.u32 @!p1 $0x4924925, s16;
	_ =	sdelay $0x1  }
0x33: {  	s17 =	smul.u32 @!p1 $0x38, s17  }
0x34: {  	s18 =	sxor.u32 @!p1 $0xFFFFFFFF, s13;
	s19 =	smul.u32 @!p1 $0x380, s12  }
0x35: {  	s31 =	sadd.s32 $0xFFFFFFFF, s13;
	s18 =	sshll.u32 @!p1 s18, $0xD;
	s16 =	ssub.s32 @!p1 s16, s17  }
0x36: {  	s17 =	sand.u32 @!p1 $0x2000, s18;
	s18 =	sadd.s32 @!p1 s6, s19;
	s16 =	sshll.u32 @!p1 s16, $0x4  }
0x37: {  	s19 =	simm.s32 @!p1 $0x1C00;
	s16 =	sadd.s32 @!p1 s16, s18;
	s18 =	simm.s32 @!p1 $0x40  }
0x38: {  	[tilespmem:s17], [sflag:$0x1] =	stream.strided.gather @!p1 [hbm4b:s16+s18], $0x2000, s19, s18, $0x38;
	[tilespmem:$0x8080] =	vst v63  }
0x39: {  	p1 =	sge.u32 s31, s5  }
.Ltmp2:
0x3a: {  	_ = 	snop;
	(pc) =	sbr.rel @p1 .LBB1_5-.Ltmp2, $1  }
0x3b: {  	_ =	sdelay $0x3  }
0x3c: {  	s16 =	simm.s32 $0x1  }
0x3d: {  	_ =	swait.ge [sflag:s4], $0x2000;
	s16 =	simm.s32 @!p0 $0x0  }
0x3e: {  	[sflag:s4] =	ssyncset.done $0x0;
	s17 =	sshll.u32 s16, $0xD  }
0x3f: {  	[sflag:s4] =	ssyncadd.s32 $0xFFFFE000;
	s20 =	sor.u32 $0x20, s17  }
0x40: {  	s16 =	smul.u32 $0x8100, s16;
	v3 =	vld [tilespmem:s20+$0x10]  }
0x41: {  	s30 =	sand.u32 $0x1, s13;
	v2 =	vld [tilespmem:s20+$0xFFFFFFF0]  }
0x42: {  	s17 =	smul.u32 $0x8100, s30;
	s16 =	sshrl.u32 s16, $0x2;
	v0 =	vld [tilespmem:s20+$0x0]  }
0x43: {  	v1 =	vld [tilespmem:s20+$0xFFFFFFE0];
	s18 =	sor.u32 $0x4000, s16  }
0x44: {  	s31 =	sshrl.u32 s17, $0x2;
	s17 =	sadd.s32 $0x0, s18  }
0x45: {  	s19 =	simm.s32 $0x4;
	s20 =	sadd.s32 $0x40, s20;
	s16 =	sor.u32 $0x4000, s31;
	[tilespmem:s17+$0x1830 ss:$0x81] =	vst.msk $0xffff, v3  }
.LBB1_3:
0x46: {  	v3 =	vld [tilespmem:s20+$0x10];
	p1 =	sne.s32 s19, $0x1FC;
	[tilespmem:s17+$0x810 ss:$0x81] =	vst.msk $0xffff, v2;
	s21 =	smov.u32 s19;
	s19 =	sadd.s32 $0x4, s19  }
.Ltmp3:
0x47: {  	v2 =	vld [tilespmem:s20+$0xFFFFFFF0];
	[tilespmem:s17+$0x1020 ss:$0x81] =	vst.msk $0xffff, v0;
	(pc) =	sbr.rel @p1 .LBB1_3-.Ltmp3, $4  }
0x48: {  	v0 =	vld [tilespmem:s20+$0x0];
	[tilespmem:s17+$0x0 ss:$0x81] =	vst.msk $0xffff, v1  }
0x49: {  	s17 =	sshra.s32 s21, $0x2;
	v1 =	vld [tilespmem:s20+$0xFFFFFFE0]  }
0x4a: {  	s17 =	sadd.s32 s17, s18  }
0x4b: {  	s20 =	sadd.s32 $0x40, s20;
	[tilespmem:s17+$0x1830 ss:$0x81] =	vst.msk $0xffff, v3  }
.Ltmp4:
0x4c: {  	_ = 	snop;
	(pc) =	sbr.rel .LBB1_4-.Ltmp4, $1  }
0x4d: {  	_ =	sdelay $0x3  }
.LBB1_6:
0x4e: {  	_ =	sfence.sel $0x180000  }
0x4f: {  	s2 =	simm.s32 $0x1;
	[bflag:$0x0] =	sbarrier.arrive $0xFFFF  }
0x50: {  	s31 =	simm.s32 $0x2;
	[sflag:s2] =	ssyncpa.u1 $0x1  }
0x51: {  	[sflag:s31] =	ssyncpa.u1 $0x1  }
0x52: {  	p0 =	sne.s32 s0, $0x0;
	_ =	strace $0x9000004A  }
0x53: {  	s0 =	sadd.s32 @!p0 $0x100000, s1;
	[bflag:$0x2] =	sbarrier.arrive $0xFFFF  }
0x54: {  	[sflag:s0] =	ssyncadd.tile.s32 @!p0 $0x1;
	_ =	shalt  }
.Lfunc_end1:
_tile_overlayer_lowered:
.L_overlay_start_2:
0x55: {  	(tag) =	ssettag $0x2  }
0x56: {  	s0 =	rddreg [dreg:$0x0];
	s2 =	stileid.u32  }
0x57: {  	s1 =	rddreg [dreg:$0x1];
	p0 =	sne.s32 s2, $0x0  }
0x58: {  	s3 =	rddreg [dreg:$0x2];
	[bflag:$0x3] =	sbarrier.arrive $0xFFFF;
	s2 =	simm.s32 @!p0 $0x1C01  }
0x59: {  	[timem:s3], [sflag:s2] =	dma.local @!p0 [hbm:s0], s1  }
0x5a: {  	s0 =	simm.s32 @!p0 $0x1  }
0x5b: {  	_ =	swait.ge @!p0 [sflag:s0], s1  }
0x5c: {  	s1 =	ssub.s32 @!p0 $0x0, s1;
	[sflag:s0] =	ssyncset.done @!p0 $0x0  }
0x5d: {  	[sflag:s0] =	ssyncadd.s32 @!p0 s1  }
0x5e: {  	[bflag:$0x3] =	sbarrier.arrive $0xFFFF  }
0x5f: {  	_ =	shalt  }

</sc_bundles>
